<compile_context>
chip_gen: v7x
topology: tpu7x:2x2x1
jax: 0.10.2.dev20260603
libtpu: 0.0.44.dev20260713+nightly
codegen_flags: <defaults>
</compile_context>

<pallas_src>
import functools

import jax
import jax.numpy as jnp
from jax import lax
from jax.experimental import pallas as pl
from jax.experimental.pallas import tpu as pltpu
from jax.experimental.pallas import tpu_sc as plsc

N_BINS = 1024
BATCH = 16384

NC = 2
NS = 16
L = 16
NW = NC * NS

B_PER_W = BATCH // NW
CHUNKS = ((0, 320), (320, 192))


_mesh = plsc.VectorSubcoreMesh(core_axis_name="c", subcore_axis_name="s")


def _pipeline(table_hbm, x_hbm, y_hbm, out_hbm, xv, fv, ov, sems, base, chunks):
    s = sems[: len(chunks)]
    g = sems[len(chunks):]

    idx_cps = []
    for k, (off, csz) in enumerate(chunks):
        cx = pltpu.async_copy(
            x_hbm.at[pl.ds(base + off, csz)], xv.at[pl.ds(off, csz)], s[k]
        )
        cy = pltpu.async_copy(
            y_hbm.at[pl.ds(base + off, csz)], fv.at[pl.ds(off, csz)], s[k]
        )
        idx_cps.append((cx, cy))

    gths = []
    for k, (off, csz) in enumerate(chunks):
        cx, cy = idx_cps[k]
        cx.wait()
        cy.wait()

        @plsc.parallel_loop(off, off + csz, step=L, unroll=4)
        def idx_step(i):
            sl = pl.ds(i, L)
            x = xv[sl]
            y = fv[sl]
            fv[sl] = (
                ((x >> 3) << 13) + ((y >> 7) << 10) + ((x & 7) << 7) + (y & 127)
            )

        gths.append(
            pltpu.async_copy(
                table_hbm.at[fv.at[pl.ds(off, csz)]], ov.at[pl.ds(off, csz)], g[k]
            )
        )

    wbs = []
    for k, (off, csz) in enumerate(chunks):
        gths[k].wait()
        wbs.append(
            pltpu.async_copy(
                ov.at[pl.ds(off, csz)], out_hbm.at[pl.ds(base + off, csz)], s[k]
            )
        )
    for wb in wbs:
        wb.wait()


@functools.partial(
    pl.kernel,
    mesh=_mesh,
    out_type=jax.ShapeDtypeStruct((BATCH,), jnp.float32),
    scratch_types=[
        pltpu.VMEM((B_PER_W,), jnp.int32),
        pltpu.VMEM((B_PER_W,), jnp.int32),
        pltpu.VMEM((B_PER_W,), jnp.float32),
    ]
    + [pltpu.SemaphoreType.DMA] * 4,
)
def _gather_kernel(table_hbm, x_hbm, y_hbm, out_hbm, xv, fv, ov, *sems):
    wid = lax.axis_index("s") * NC + lax.axis_index("c")
    base = wid * B_PER_W
    _pipeline(table_hbm, x_hbm, y_hbm, out_hbm, xv, fv, ov, sems, base, CHUNKS)


def kernel(energies, x_indices, y_indices):
    tiled_view = (
        energies.reshape(N_BINS // 8, 8, N_BINS // 128, 128)
        .transpose(0, 2, 1, 3)
        .reshape(N_BINS * N_BINS)
    )
    return _gather_kernel(tiled_view, x_indices, y_indices)

# --- scband reference (transcript-rebuilt; emitter-appended) ---
"""Pipeline reference for scband-discrete-energy-model-7224134991968 (READ-ONLY COPY).

The authoritative reference and input builder live on the scoring server;
editing this copy changes nothing except your own understanding.
"""

import jax, jax.numpy as jnp
import numpy as np

N_BINS = 1024
BATCH = 16384

def _gmm_energies(n_bins):
    # Faithful stand-in for torch MixtureSameFamily over a 2D grid:
    # 8-component isotropic Gaussian mixture, energies = -log_prob(grid).
    k1, k2 = jax.random.split(jax.random.key(42))
    n_comp = 8
    means = jax.random.uniform(k1, (n_comp, 2), minval=-0.4, maxval=0.4)
    sigma = 0.08
    log_weights = jnp.log(jnp.ones((n_comp,)) / n_comp)
    lin = jnp.linspace(-0.5, 0.5, n_bins)
    # torch.cartesian_prod(lin, lin): first dim varies slowest -> meshgrid 'ij'
    gx, gy = jnp.meshgrid(lin, lin, indexing='ij')
    grid = jnp.stack([gx.ravel(), gy.ravel()], axis=-1)  # (n_bins*n_bins, 2)
    diff = grid[:, None, :] - means[None, :, :]
    log_prob_comp = (-0.5 * jnp.sum((diff / sigma) ** 2, axis=-1)
                     - 2.0 * jnp.log(sigma) - jnp.log(2.0 * jnp.pi))
    log_prob = jax.scipy.special.logsumexp(log_weights[None, :] + log_prob_comp, axis=-1)
    return (-log_prob).reshape(n_bins, n_bins)

def setup_inputs(seed: int = 0) -> dict:
    key = jax.random.key(seed)
    kx, ky = jax.random.split(key)
    energies = _gmm_energies(N_BINS)  # registered buffer in the torch module
    x_indices = jax.random.randint(kx, (BATCH,), 0, N_BINS)
    y_indices = jax.random.randint(ky, (BATCH,), 0, N_BINS)
    return {"energies": energies, "x_indices": x_indices, "y_indices": y_indices}

def reference(energies, x_indices, y_indices):
    # forward: gather energies[x_indices, y_indices] -> (batch,)
    return energies[x_indices, y_indices]

if __name__ == "__main__":
    import jax
    _d = setup_inputs()
    print(jax.jit(kernel)(*tuple(_d.values())))

</pallas_src>

<mosaic_0001>
#map = affine_map<(d0, d1) -> (0)>
module attributes {stable_mosaic.version = 14 : i64} {
  func.func @_gather_kernel(%arg0: i32, %arg1: i32, %arg2: memref<1048576xf32, #tpu.memory_space<hbm>>, %arg3: memref<16384xi32, #tpu.memory_space<hbm>>, %arg4: memref<16384xi32, #tpu.memory_space<hbm>>, %arg5: memref<16384xf32, #tpu.memory_space<hbm>>, %arg6: memref<512xi32, #tpu.memory_space<vmem>>, %arg7: memref<512xi32, #tpu.memory_space<vmem>>, %arg8: memref<512xf32, #tpu.memory_space<vmem>>, %arg9: memref<!tpu.dma_semaphore, #tpu.memory_space<semaphore_mem>>, %arg10: memref<!tpu.dma_semaphore, #tpu.memory_space<semaphore_mem>>, %arg11: memref<!tpu.dma_semaphore, #tpu.memory_space<semaphore_mem>>, %arg12: memref<!tpu.dma_semaphore, #tpu.memory_space<semaphore_mem>>) attributes {dimension_semantics = [#tpu.dimension_semantics<core_parallel>, #tpu.dimension_semantics<subcore_parallel>], iteration_bounds = array<i64: 2, 16>, scalar_prefetch = 0 : i64, scratch_operands = 7 : i64, tpu.core_type = #tpu.core_type<sc_vector_subcore>, window_params = [{transform_indices = #map}, {transform_indices = #map}, {transform_indices = #map}, {transform_indices = #map}]} {
    %mul3A = arith.constant 2 : i32
    %mul3A_0 = arith.muli %arg1, %mul3A : i32
    %add3A = arith.addi %mul3A_0, %arg0 : i32
    %mul3A_1 = arith.constant 512 : i32
    %mul3A_2 = arith.muli %add3A, %mul3A_1 : i32
    %add3A_3 = arith.constant 0 : i32
    %add3A_4 = arith.addi %mul3A_2, %add3A_3 : i32
    %dma_start3A = arith.constant 0 : i32
    %dma_start3A_5 = tpu.memref_slice %arg6[%dma_start3A] : memref<512xi32, #tpu.memory_space<vmem>> -> memref<320xi32, #tpu.memory_space<vmem>>
    %dma_start3A_6 = tpu.memref_slice %arg3[%add3A_4] : memref<16384xi32, #tpu.memory_space<hbm>> -> memref<320xi32, #tpu.memory_space<hbm>>
    %dma_start3A_7 = arith.constant 0 : i32
    %dma_start3A_8 = tpu.memref_slice %arg6[%dma_start3A_7] : memref<512xi32, #tpu.memory_space<vmem>> -> memref<320xi32, #tpu.memory_space<vmem>>
    %dma_start3A_9 = tpu.memref_slice %arg3[%add3A_4] : memref<16384xi32, #tpu.memory_space<hbm>> -> memref<320xi32, #tpu.memory_space<hbm>>
    tpu.enqueue_dma source(%dma_start3A_9 : memref<320xi32, #tpu.memory_space<hbm>>) target(%dma_start3A_8 : memref<320xi32, #tpu.memory_space<vmem>>) target_semaphore(%arg9 : memref<!tpu.dma_semaphore, #tpu.memory_space<semaphore_mem>>)
    %add3A_10 = arith.constant 0 : i32
    %add3A_11 = arith.addi %mul3A_2, %add3A_10 : i32
    %dma_start3A_12 = arith.constant 0 : i32
    %dma_start3A_13 = tpu.memref_slice %arg7[%dma_start3A_12] : memref<512xi32, #tpu.memory_space<vmem>> -> memref<320xi32, #tpu.memory_space<vmem>>
    %dma_start3A_14 = tpu.memref_slice %arg4[%add3A_11] : memref<16384xi32, #tpu.memory_space<hbm>> -> memref<320xi32, #tpu.memory_space<hbm>>
    %dma_start3A_15 = arith.constant 0 : i32
    %dma_start3A_16 = tpu.memref_slice %arg7[%dma_start3A_15] : memref<512xi32, #tpu.memory_space<vmem>> -> memref<320xi32, #tpu.memory_space<vmem>>
    %dma_start3A_17 = tpu.memref_slice %arg4[%add3A_11] : memref<16384xi32, #tpu.memory_space<hbm>> -> memref<320xi32, #tpu.memory_space<hbm>>
    tpu.enqueue_dma source(%dma_start3A_17 : memref<320xi32, #tpu.memory_space<hbm>>) target(%dma_start3A_16 : memref<320xi32, #tpu.memory_space<vmem>>) target_semaphore(%arg9 : memref<!tpu.dma_semaphore, #tpu.memory_space<semaphore_mem>>)
    %add3A_18 = arith.constant 320 : i32
    %add3A_19 = arith.addi %mul3A_2, %add3A_18 : i32
    %dma_start3A_20 = arith.constant 320 : i32
    %dma_start3A_21 = tpu.memref_slice %arg6[%dma_start3A_20] : memref<512xi32, #tpu.memory_space<vmem>> -> memref<192xi32, #tpu.memory_space<vmem>>
    %dma_start3A_22 = tpu.memref_slice %arg3[%add3A_19] : memref<16384xi32, #tpu.memory_space<hbm>> -> memref<192xi32, #tpu.memory_space<hbm>>
    %dma_start3A_23 = arith.constant 320 : i32
    %dma_start3A_24 = tpu.memref_slice %arg6[%dma_start3A_23] : memref<512xi32, #tpu.memory_space<vmem>> -> memref<192xi32, #tpu.memory_space<vmem>>
    %dma_start3A_25 = tpu.memref_slice %arg3[%add3A_19] : memref<16384xi32, #tpu.memory_space<hbm>> -> memref<192xi32, #tpu.memory_space<hbm>>
    tpu.enqueue_dma source(%dma_start3A_25 : memref<192xi32, #tpu.memory_space<hbm>>) target(%dma_start3A_24 : memref<192xi32, #tpu.memory_space<vmem>>) target_semaphore(%arg10 : memref<!tpu.dma_semaphore, #tpu.memory_space<semaphore_mem>>)
    %add3A_26 = arith.constant 320 : i32
    %add3A_27 = arith.addi %mul3A_2, %add3A_26 : i32
    %dma_start3A_28 = arith.constant 320 : i32
    %dma_start3A_29 = tpu.memref_slice %arg7[%dma_start3A_28] : memref<512xi32, #tpu.memory_space<vmem>> -> memref<192xi32, #tpu.memory_space<vmem>>
    %dma_start3A_30 = tpu.memref_slice %arg4[%add3A_27] : memref<16384xi32, #tpu.memory_space<hbm>> -> memref<192xi32, #tpu.memory_space<hbm>>
    %dma_start3A_31 = arith.constant 320 : i32
    %dma_start3A_32 = tpu.memref_slice %arg7[%dma_start3A_31] : memref<512xi32, #tpu.memory_space<vmem>> -> memref<192xi32, #tpu.memory_space<vmem>>
    %dma_start3A_33 = tpu.memref_slice %arg4[%add3A_27] : memref<16384xi32, #tpu.memory_space<hbm>> -> memref<192xi32, #tpu.memory_space<hbm>>
    tpu.enqueue_dma source(%dma_start3A_33 : memref<192xi32, #tpu.memory_space<hbm>>) target(%dma_start3A_32 : memref<192xi32, #tpu.memory_space<vmem>>) target_semaphore(%arg10 : memref<!tpu.dma_semaphore, #tpu.memory_space<semaphore_mem>>)
    %dma_wait3A = arith.constant 0 : i32
    %dma_wait3A_34 = tpu.memref_slice %arg6[%dma_wait3A] : memref<512xi32, #tpu.memory_space<vmem>> -> memref<320xi32, #tpu.memory_space<vmem>>
    %dma_wait3A_35 = tpu.memref_slice %arg3[%add3A_4] : memref<16384xi32, #tpu.memory_space<hbm>> -> memref<320xi32, #tpu.memory_space<hbm>>
    %dma_wait3A_36 = arith.constant 0 : i32
    %dma_wait3A_37 = tpu.memref_slice %arg6[%dma_wait3A_36] : memref<512xi32, #tpu.memory_space<vmem>> -> memref<320xi32, #tpu.memory_space<vmem>>
    %dma_wait3A_38 = tpu.memref_slice %arg3[%add3A_4] : memref<16384xi32, #tpu.memory_space<hbm>> -> memref<320xi32, #tpu.memory_space<hbm>>
    tpu.wait_dma2 semaphore(%arg9 : memref<!tpu.dma_semaphore, #tpu.memory_space<semaphore_mem>>) src(%dma_wait3A_38 : memref<320xi32, #tpu.memory_space<hbm>>) dst(%dma_wait3A_37 : memref<320xi32, #tpu.memory_space<vmem>>)
    %dma_wait3A_39 = arith.constant 0 : i32
    %dma_wait3A_40 = tpu.memref_slice %arg7[%dma_wait3A_39] : memref<512xi32, #tpu.memory_space<vmem>> -> memref<320xi32, #tpu.memory_space<vmem>>
    %dma_wait3A_41 = tpu.memref_slice %arg4[%add3A_11] : memref<16384xi32, #tpu.memory_space<hbm>> -> memref<320xi32, #tpu.memory_space<hbm>>
    %dma_wait3A_42 = arith.constant 0 : i32
    %dma_wait3A_43 = tpu.memref_slice %arg7[%dma_wait3A_42] : memref<512xi32, #tpu.memory_space<vmem>> -> memref<320xi32, #tpu.memory_space<vmem>>
    %dma_wait3A_44 = tpu.memref_slice %arg4[%add3A_11] : memref<16384xi32, #tpu.memory_space<hbm>> -> memref<320xi32, #tpu.memory_space<hbm>>
    tpu.wait_dma2 semaphore(%arg9 : memref<!tpu.dma_semaphore, #tpu.memory_space<semaphore_mem>>) src(%dma_wait3A_44 : memref<320xi32, #tpu.memory_space<hbm>>) dst(%dma_wait3A_43 : memref<320xi32, #tpu.memory_space<vmem>>)
    %parallel_loop3A = arith.constant 0 : i32
    %parallel_loop3A_45 = arith.constant 320 : i32
    %parallel_loop3A_46 = arith.constant 16 : i32
    scf.for %parallel_loop3A_114 = %parallel_loop3A to %parallel_loop3A_45 step %parallel_loop3A_46  : i32 {
      %parallel_loop3A_115 = arith.index_cast %parallel_loop3A_114 : i32 to index
      %parallel_loop3A_116 = tpu.vector_load %arg6[%parallel_loop3A_115] {strides = array<i32>} : memref<512xi32, #tpu.memory_space<vmem>>, vector<16xi32>,
      %parallel_loop3A_117 = vector.shape_cast %parallel_loop3A_116 : vector<16xi32> to vector<16xi32>
      %parallel_loop3A_118 = arith.index_cast %parallel_loop3A_114 : i32 to index
      %parallel_loop3A_119 = tpu.vector_load %arg7[%parallel_loop3A_118] {strides = array<i32>} : memref<512xi32, #tpu.memory_space<vmem>>, vector<16xi32>,
      %parallel_loop3A_120 = vector.shape_cast %parallel_loop3A_119 : vector<16xi32> to vector<16xi32>
      %parallel_loop3A_121 = arith.constant 3 : i32
      %parallel_loop3A_122 = vector.broadcast %parallel_loop3A_121 : i32 to vector<16xi32>
      %parallel_loop3A_123 = arith.shrsi %parallel_loop3A_117, %parallel_loop3A_122 : vector<16xi32>
      %parallel_loop3A_124 = arith.constant 13 : i32
      %parallel_loop3A_125 = vector.broadcast %parallel_loop3A_124 : i32 to vector<16xi32>
      %parallel_loop3A_126 = arith.shli %parallel_loop3A_123, %parallel_loop3A_125 : vector<16xi32>
      %parallel_loop3A_127 = arith.constant 7 : i32
      %parallel_loop3A_128 = vector.broadcast %parallel_loop3A_127 : i32 to vector<16xi32>
      %parallel_loop3A_129 = arith.shrsi %parallel_loop3A_120, %parallel_loop3A_128 : vector<16xi32>
      %parallel_loop3A_130 = arith.constant 10 : i32
      %parallel_loop3A_131 = vector.broadcast %parallel_loop3A_130 : i32 to vector<16xi32>
      %parallel_loop3A_132 = arith.shli %parallel_loop3A_129, %parallel_loop3A_131 : vector<16xi32>
      %parallel_loop3A_133 = arith.addi %parallel_loop3A_126, %parallel_loop3A_132 : vector<16xi32>
      %parallel_loop3A_134 = arith.constant 7 : i32
      %parallel_loop3A_135 = vector.broadcast %parallel_loop3A_134 : i32 to vector<16xi32>
      %parallel_loop3A_136 = arith.andi %parallel_loop3A_117, %parallel_loop3A_135 : vector<16xi32>
      %parallel_loop3A_137 = arith.constant 7 : i32
      %parallel_loop3A_138 = vector.broadcast %parallel_loop3A_137 : i32 to vector<16xi32>
      %parallel_loop3A_139 = arith.shli %parallel_loop3A_136, %parallel_loop3A_138 : vector<16xi32>
      %parallel_loop3A_140 = arith.addi %parallel_loop3A_133, %parallel_loop3A_139 : vector<16xi32>
      %parallel_loop3A_141 = arith.constant 127 : i32
      %parallel_loop3A_142 = vector.broadcast %parallel_loop3A_141 : i32 to vector<16xi32>
      %parallel_loop3A_143 = arith.andi %parallel_loop3A_120, %parallel_loop3A_142 : vector<16xi32>
      %parallel_loop3A_144 = arith.addi %parallel_loop3A_140, %parallel_loop3A_143 : vector<16xi32>
      %parallel_loop3A_145 = arith.index_cast %parallel_loop3A_114 : i32 to index
      %parallel_loop3A_146 = tpu.vector_load %arg7[%parallel_loop3A_145] {strides = array<i32>} : memref<512xi32, #tpu.memory_space<vmem>>, vector<16xi32>,
      %parallel_loop3A_147 = vector.shape_cast %parallel_loop3A_146 : vector<16xi32> to vector<16xi32>
      %parallel_loop3A_148 = vector.shape_cast %parallel_loop3A_144 : vector<16xi32> to vector<16xi32>
      tpu.vector_store %arg7[%parallel_loop3A_145], %parallel_loop3A_148 {strides = array<i32>} : memref<512xi32, #tpu.memory_space<vmem>>, vector<16xi32>,
    } {sc.loop_unroll_factor = 4 : i64, sc.parallel_access}
    %dma_start3A_47 = arith.constant 0 : i32
    %dma_start3A_48 = tpu.memref_slice %arg8[%dma_start3A_47] : memref<512xf32, #tpu.memory_space<vmem>> -> memref<320xf32, #tpu.memory_space<vmem>>
    %dma_start3A_49 = arith.constant 0 : i32
    %dma_start3A_50 = tpu.memref_slice %arg7[%dma_start3A_49] : memref<512xi32, #tpu.memory_space<vmem>> -> memref<320xi32, #tpu.memory_space<vmem>>
    %dma_start3A_51 = arith.constant 0 : i32
    %dma_start3A_52 = tpu.memref_slice %arg2[%dma_start3A_51] : memref<1048576xf32, #tpu.memory_space<hbm>> -> memref<1048576xf32, #tpu.memory_space<hbm>>
    tpu.enqueue_indirect_dma source(%dma_start3A_52 : memref<1048576xf32, #tpu.memory_space<hbm>>) target(%dma_start3A_48 : memref<320xf32, #tpu.memory_space<vmem>>) offsets(%dma_start3A_50 : memref<320xi32, #tpu.memory_space<vmem>>) semaphore(%arg11 : memref<!tpu.dma_semaphore, #tpu.memory_space<semaphore_mem>>)
    %dma_wait3A_53 = arith.constant 320 : i32
    %dma_wait3A_54 = tpu.memref_slice %arg6[%dma_wait3A_53] : memref<512xi32, #tpu.memory_space<vmem>> -> memref<192xi32, #tpu.memory_space<vmem>>
    %dma_wait3A_55 = tpu.memref_slice %arg3[%add3A_19] : memref<16384xi32, #tpu.memory_space<hbm>> -> memref<192xi32, #tpu.memory_space<hbm>>
    %dma_wait3A_56 = arith.constant 320 : i32
    %dma_wait3A_57 = tpu.memref_slice %arg6[%dma_wait3A_56] : memref<512xi32, #tpu.memory_space<vmem>> -> memref<192xi32, #tpu.memory_space<vmem>>
    %dma_wait3A_58 = tpu.memref_slice %arg3[%add3A_19] : memref<16384xi32, #tpu.memory_space<hbm>> -> memref<192xi32, #tpu.memory_space<hbm>>
    tpu.wait_dma2 semaphore(%arg10 : memref<!tpu.dma_semaphore, #tpu.memory_space<semaphore_mem>>) src(%dma_wait3A_58 : memref<192xi32, #tpu.memory_space<hbm>>) dst(%dma_wait3A_57 : memref<192xi32, #tpu.memory_space<vmem>>)
    %dma_wait3A_59 = arith.constant 320 : i32
    %dma_wait3A_60 = tpu.memref_slice %arg7[%dma_wait3A_59] : memref<512xi32, #tpu.memory_space<vmem>> -> memref<192xi32, #tpu.memory_space<vmem>>
    %dma_wait3A_61 = tpu.memref_slice %arg4[%add3A_27] : memref<16384xi32, #tpu.memory_space<hbm>> -> memref<192xi32, #tpu.memory_space<hbm>>
    %dma_wait3A_62 = arith.constant 320 : i32
    %dma_wait3A_63 = tpu.memref_slice %arg7[%dma_wait3A_62] : memref<512xi32, #tpu.memory_space<vmem>> -> memref<192xi32, #tpu.memory_space<vmem>>
    %dma_wait3A_64 = tpu.memref_slice %arg4[%add3A_27] : memref<16384xi32, #tpu.memory_space<hbm>> -> memref<192xi32, #tpu.memory_space<hbm>>
    tpu.wait_dma2 semaphore(%arg10 : memref<!tpu.dma_semaphore, #tpu.memory_space<semaphore_mem>>) src(%dma_wait3A_64 : memref<192xi32, #tpu.memory_space<hbm>>) dst(%dma_wait3A_63 : memref<192xi32, #tpu.memory_space<vmem>>)
    %parallel_loop3A_65 = arith.constant 320 : i32
    %parallel_loop3A_66 = arith.constant 512 : i32
    %parallel_loop3A_67 = arith.constant 16 : i32
    scf.for %parallel_loop3A_114 = %parallel_loop3A_65 to %parallel_loop3A_66 step %parallel_loop3A_67  : i32 {
      %parallel_loop3A_115 = arith.index_cast %parallel_loop3A_114 : i32 to index
      %parallel_loop3A_116 = tpu.vector_load %arg6[%parallel_loop3A_115] {strides = array<i32>} : memref<512xi32, #tpu.memory_space<vmem>>, vector<16xi32>,
      %parallel_loop3A_117 = vector.shape_cast %parallel_loop3A_116 : vector<16xi32> to vector<16xi32>
      %parallel_loop3A_118 = arith.index_cast %parallel_loop3A_114 : i32 to index
      %parallel_loop3A_119 = tpu.vector_load %arg7[%parallel_loop3A_118] {strides = array<i32>} : memref<512xi32, #tpu.memory_space<vmem>>, vector<16xi32>,
      %parallel_loop3A_120 = vector.shape_cast %parallel_loop3A_119 : vector<16xi32> to vector<16xi32>
      %parallel_loop3A_121 = arith.constant 3 : i32
      %parallel_loop3A_122 = vector.broadcast %parallel_loop3A_121 : i32 to vector<16xi32>
      %parallel_loop3A_123 = arith.shrsi %parallel_loop3A_117, %parallel_loop3A_122 : vector<16xi32>
      %parallel_loop3A_124 = arith.constant 13 : i32
      %parallel_loop3A_125 = vector.broadcast %parallel_loop3A_124 : i32 to vector<16xi32>
      %parallel_loop3A_126 = arith.shli %parallel_loop3A_123, %parallel_loop3A_125 : vector<16xi32>
      %parallel_loop3A_127 = arith.constant 7 : i32
      %parallel_loop3A_128 = vector.broadcast %parallel_loop3A_127 : i32 to vector<16xi32>
      %parallel_loop3A_129 = arith.shrsi %parallel_loop3A_120, %parallel_loop3A_128 : vector<16xi32>
      %parallel_loop3A_130 = arith.constant 10 : i32
      %parallel_loop3A_131 = vector.broadcast %parallel_loop3A_130 : i32 to vector<16xi32>
      %parallel_loop3A_132 = arith.shli %parallel_loop3A_129, %parallel_loop3A_131 : vector<16xi32>
      %parallel_loop3A_133 = arith.addi %parallel_loop3A_126, %parallel_loop3A_132 : vector<16xi32>
      %parallel_loop3A_134 = arith.constant 7 : i32
      %parallel_loop3A_135 = vector.broadcast %parallel_loop3A_134 : i32 to vector<16xi32>
      %parallel_loop3A_136 = arith.andi %parallel_loop3A_117, %parallel_loop3A_135 : vector<16xi32>
      %parallel_loop3A_137 = arith.constant 7 : i32
      %parallel_loop3A_138 = vector.broadcast %parallel_loop3A_137 : i32 to vector<16xi32>
      %parallel_loop3A_139 = arith.shli %parallel_loop3A_136, %parallel_loop3A_138 : vector<16xi32>
      %parallel_loop3A_140 = arith.addi %parallel_loop3A_133, %parallel_loop3A_139 : vector<16xi32>
      %parallel_loop3A_141 = arith.constant 127 : i32
      %parallel_loop3A_142 = vector.broadcast %parallel_loop3A_141 : i32 to vector<16xi32>
      %parallel_loop3A_143 = arith.andi %parallel_loop3A_120, %parallel_loop3A_142 : vector<16xi32>
      %parallel_loop3A_144 = arith.addi %parallel_loop3A_140, %parallel_loop3A_143 : vector<16xi32>
      %parallel_loop3A_145 = arith.index_cast %parallel_loop3A_114 : i32 to index
      %parallel_loop3A_146 = tpu.vector_load %arg7[%parallel_loop3A_145] {strides = array<i32>} : memref<512xi32, #tpu.memory_space<vmem>>, vector<16xi32>,
      %parallel_loop3A_147 = vector.shape_cast %parallel_loop3A_146 : vector<16xi32> to vector<16xi32>
      %parallel_loop3A_148 = vector.shape_cast %parallel_loop3A_144 : vector<16xi32> to vector<16xi32>
      tpu.vector_store %arg7[%parallel_loop3A_145], %parallel_loop3A_148 {strides = array<i32>} : memref<512xi32, #tpu.memory_space<vmem>>, vector<16xi32>,
    } {sc.loop_unroll_factor = 4 : i64, sc.parallel_access}
    %dma_start3A_68 = arith.constant 320 : i32
    %dma_start3A_69 = tpu.memref_slice %arg8[%dma_start3A_68] : memref<512xf32, #tpu.memory_space<vmem>> -> memref<192xf32, #tpu.memory_space<vmem>>
    %dma_start3A_70 = arith.constant 320 : i32
    %dma_start3A_71 = tpu.memref_slice %arg7[%dma_start3A_70] : memref<512xi32, #tpu.memory_space<vmem>> -> memref<192xi32, #tpu.memory_space<vmem>>
    %dma_start3A_72 = arith.constant 0 : i32
    %dma_start3A_73 = tpu.memref_slice %arg2[%dma_start3A_72] : memref<1048576xf32, #tpu.memory_space<hbm>> -> memref<1048576xf32, #tpu.memory_space<hbm>>
    tpu.enqueue_indirect_dma source(%dma_start3A_73 : memref<1048576xf32, #tpu.memory_space<hbm>>) target(%dma_start3A_69 : memref<192xf32, #tpu.memory_space<vmem>>) offsets(%dma_start3A_71 : memref<192xi32, #tpu.memory_space<vmem>>) semaphore(%arg12 : memref<!tpu.dma_semaphore, #tpu.memory_space<semaphore_mem>>)
    %dma_wait3A_74 = arith.constant 0 : i32
    %dma_wait3A_75 = tpu.memref_slice %arg8[%dma_wait3A_74] : memref<512xf32, #tpu.memory_space<vmem>> -> memref<320xf32, #tpu.memory_space<vmem>>
    %dma_wait3A_76 = arith.constant 0 : i32
    %dma_wait3A_77 = tpu.memref_slice %arg7[%dma_wait3A_76] : memref<512xi32, #tpu.memory_space<vmem>> -> memref<320xi32, #tpu.memory_space<vmem>>
    %dma_wait3A_78 = arith.constant 0 : i32
    %dma_wait3A_79 = tpu.memref_slice %arg2[%dma_wait3A_78] : memref<1048576xf32, #tpu.memory_space<hbm>> -> memref<1048576xf32, #tpu.memory_space<hbm>>
    tpu.wait_indirect_dma semaphore(%arg11 : memref<!tpu.dma_semaphore, #tpu.memory_space<semaphore_mem>>) src(%dma_wait3A_79 : memref<1048576xf32, #tpu.memory_space<hbm>>) dst(%dma_wait3A_75 : memref<320xf32, #tpu.memory_space<vmem>>)
    %add3A_80 = arith.constant 0 : i32
    %add3A_81 = arith.addi %mul3A_2, %add3A_80 : i32
    %dma_start3A_82 = arith.constant 0 : i32
    %dma_start3A_83 = tpu.memref_slice %arg8[%dma_start3A_82] : memref<512xf32, #tpu.memory_space<vmem>> -> memref<320xf32, #tpu.memory_space<vmem>>
    %dma_start3A_84 = tpu.memref_slice %arg5[%add3A_81] : memref<16384xf32, #tpu.memory_space<hbm>> -> memref<320xf32, #tpu.memory_space<hbm>>
    %dma_start3A_85 = tpu.memref_slice %arg5[%add3A_81] : memref<16384xf32, #tpu.memory_space<hbm>> -> memref<320xf32, #tpu.memory_space<hbm>>
    %dma_start3A_86 = arith.constant 0 : i32
    %dma_start3A_87 = tpu.memref_slice %arg8[%dma_start3A_86] : memref<512xf32, #tpu.memory_space<vmem>> -> memref<320xf32, #tpu.memory_space<vmem>>
    tpu.enqueue_dma source(%dma_start3A_87 : memref<320xf32, #tpu.memory_space<vmem>>) target(%dma_start3A_85 : memref<320xf32, #tpu.memory_space<hbm>>) target_semaphore(%arg9 : memref<!tpu.dma_semaphore, #tpu.memory_space<semaphore_mem>>)
    %dma_wait3A_88 = arith.constant 320 : i32
    %dma_wait3A_89 = tpu.memref_slice %arg8[%dma_wait3A_88] : memref<512xf32, #tpu.memory_space<vmem>> -> memref<192xf32, #tpu.memory_space<vmem>>
    %dma_wait3A_90 = arith.constant 320 : i32
    %dma_wait3A_91 = tpu.memref_slice %arg7[%dma_wait3A_90] : memref<512xi32, #tpu.memory_space<vmem>> -> memref<192xi32, #tpu.memory_space<vmem>>
    %dma_wait3A_92 = arith.constant 0 : i32
    %dma_wait3A_93 = tpu.memref_slice %arg2[%dma_wait3A_92] : memref<1048576xf32, #tpu.memory_space<hbm>> -> memref<1048576xf32, #tpu.memory_space<hbm>>
    tpu.wait_indirect_dma semaphore(%arg12 : memref<!tpu.dma_semaphore, #tpu.memory_space<semaphore_mem>>) src(%dma_wait3A_93 : memref<1048576xf32, #tpu.memory_space<hbm>>) dst(%dma_wait3A_89 : memref<192xf32, #tpu.memory_space<vmem>>)
    %add3A_94 = arith.constant 320 : i32
    %add3A_95 = arith.addi %mul3A_2, %add3A_94 : i32
    %dma_start3A_96 = arith.constant 320 : i32
    %dma_start3A_97 = tpu.memref_slice %arg8[%dma_start3A_96] : memref<512xf32, #tpu.memory_space<vmem>> -> memref<192xf32, #tpu.memory_space<vmem>>
    %dma_start3A_98 = tpu.memref_slice %arg5[%add3A_95] : memref<16384xf32, #tpu.memory_space<hbm>> -> memref<192xf32, #tpu.memory_space<hbm>>
    %dma_start3A_99 = tpu.memref_slice %arg5[%add3A_95] : memref<16384xf32, #tpu.memory_space<hbm>> -> memref<192xf32, #tpu.memory_space<hbm>>
    %dma_start3A_100 = arith.constant 320 : i32
    %dma_start3A_101 = tpu.memref_slice %arg8[%dma_start3A_100] : memref<512xf32, #tpu.memory_space<vmem>> -> memref<192xf32, #tpu.memory_space<vmem>>
    tpu.enqueue_dma source(%dma_start3A_101 : memref<192xf32, #tpu.memory_space<vmem>>) target(%dma_start3A_99 : memref<192xf32, #tpu.memory_space<hbm>>) target_semaphore(%arg10 : memref<!tpu.dma_semaphore, #tpu.memory_space<semaphore_mem>>)
    %dma_wait3A_102 = arith.constant 0 : i32
    %dma_wait3A_103 = tpu.memref_slice %arg8[%dma_wait3A_102] : memref<512xf32, #tpu.memory_space<vmem>> -> memref<320xf32, #tpu.memory_space<vmem>>
    %dma_wait3A_104 = tpu.memref_slice %arg5[%add3A_81] : memref<16384xf32, #tpu.memory_space<hbm>> -> memref<320xf32, #tpu.memory_space<hbm>>
    %dma_wait3A_105 = tpu.memref_slice %arg5[%add3A_81] : memref<16384xf32, #tpu.memory_space<hbm>> -> memref<320xf32, #tpu.memory_space<hbm>>
    %dma_wait3A_106 = arith.constant 0 : i32
    %dma_wait3A_107 = tpu.memref_slice %arg8[%dma_wait3A_106] : memref<512xf32, #tpu.memory_space<vmem>> -> memref<320xf32, #tpu.memory_space<vmem>>
    tpu.wait_dma2 semaphore(%arg9 : memref<!tpu.dma_semaphore, #tpu.memory_space<semaphore_mem>>) src(%dma_wait3A_107 : memref<320xf32, #tpu.memory_space<vmem>>) dst(%dma_wait3A_105 : memref<320xf32, #tpu.memory_space<hbm>>)
    %dma_wait3A_108 = arith.constant 320 : i32
    %dma_wait3A_109 = tpu.memref_slice %arg8[%dma_wait3A_108] : memref<512xf32, #tpu.memory_space<vmem>> -> memref<192xf32, #tpu.memory_space<vmem>>
    %dma_wait3A_110 = tpu.memref_slice %arg5[%add3A_95] : memref<16384xf32, #tpu.memory_space<hbm>> -> memref<192xf32, #tpu.memory_space<hbm>>
    %dma_wait3A_111 = tpu.memref_slice %arg5[%add3A_95] : memref<16384xf32, #tpu.memory_space<hbm>> -> memref<192xf32, #tpu.memory_space<hbm>>
    %dma_wait3A_112 = arith.constant 320 : i32
    %dma_wait3A_113 = tpu.memref_slice %arg8[%dma_wait3A_112] : memref<512xf32, #tpu.memory_space<vmem>> -> memref<192xf32, #tpu.memory_space<vmem>>
    tpu.wait_dma2 semaphore(%arg10 : memref<!tpu.dma_semaphore, #tpu.memory_space<semaphore_mem>>) src(%dma_wait3A_113 : memref<192xf32, #tpu.memory_space<vmem>>) dst(%dma_wait3A_111 : memref<192xf32, #tpu.memory_space<hbm>>)
    return
  }
}

</mosaic_0001>

<sc_bundles>
// kernel: kernel.3.cloned.1.call-start
scs
__scs_entry_jumppad:
0x0: {  	(pc) =	sbr.rel $0x88, $3  }
0x1: {  	(tag) =	ssettag $0x0;
	lr =	simm.s32 $0x1  }
0x2: {  	[smem:$0x3F9E] =	sst lr;
	_ =	strace $0xD0000000  }
0x3: {  	_ = 	snop  }
0x4: {  	_ = 	snop  }
0x5: {  	_ = 	snop  }
0x6: {  	_ = 	snop  }
0x7: {  	_ = 	snop  }
__scs_overlays_trampoline_lowered:
0x8: {  	[smem:$0x3FAD] =	sst s0  }
0x9: {  	[smem:$0x3FAE] =	sst s1  }
0xa: {  	[smem:$0x3FAF] =	sst s2  }
0xb: {  	[smem:$0x3FB0] =	sst s3  }
0xc: {  	[smem:$0x3FB1] =	sst s4  }
0xd: {  	[smem:$0x3FB2] =	sst s5  }
0xe: {  	[smem:$0x3FB3] =	sst s6  }
0xf: {  	[smem:$0x3FB4] =	sst s7  }
0x10: {  	[smem:$0x3FB5] =	sst s8  }
0x11: {  	[smem:$0x3FB6] =	sst s9;
	s0 =	simm.s32 @!p0 $0x0  }
0x12: {  	s1 =	sld [smem:$0x3F9C];
	s0 =	simm.s32 @p0 $0x1  }
0x13: {  	[smem:$0x3FB7] =	sst s0;
	s0 =	simm.s32 @!p1 $0x0  }
0x14: {  	s2 =	sld [smem:$0x3F9B];
	s0 =	simm.s32 @p1 $0x1  }
0x15: {  	[smem:$0x3FB8] =	sst s0;
	s0 =	simm.s32 @!p2 $0x0  }
0x16: {  	s3 =	sld [smem:$0x3FDB];
	s0 =	simm.s32 @p2 $0x1  }
0x17: {  	s4 =	simm.s32 $0x1BF5;
	[smem:$0x3FBA] =	sst s0  }
0x18: {  	s0 =	sld [smem:$0x3F9D];
	_ =	swait.ge [sflag:s4], $0x0  }
0x19: {  	s7 =	sld [smem:$0x3F9E]  }
0x1a: {  	s8 =	sadd.s32 $0xFFFFE003, lr  }
0x1b: {  	s9 =	sadd.s32 $0xFFFFFEF7, lr;
	s5 =	simm.s32 $0xFFFFFFFF;
	p2 =	slt.u32 s8, $0xFFFFF086  }
0x1c: {  	p1 =	slt.u32 s9, $0xF7A;
	s5 =	simm.s32 @!p2 $0x0  }
0x1d: {  	s5 =	simm.s32 @p1 $0x1;
	p0 =	seq.s32 s7, s2  }
0x1e: {  	s7 =	smul.u32 @!p0 $0xF7A, s2;
	p2 =	seq.s32 @!p0 s5, $0x0  }
0x1f: {  	s9 =	smul.u32 $0xF7A, s1;
	s8 =	simm.s32 @!p0 $0x1BF5;
	p2 =	por !p2, p0  }
0x20: {  	[sflag:s8] =	ssyncset.s32 @!p0 $0xFFFFF086;
	s6 =	sadd.s32 @!p0 s3, s7;
	s7 =	simm.s32 @!p0 $0x108  }
0x21: {  	s3 =	sadd.s32 s3, s9;
	s6 =	sadd.s32 @!p0 $0x88, s6;
	s7 =	simm.s32 @p2 $0x1082  }
0x22: {  	[simem:s7], [sflag:s8] =	dma.local @!p0 [hbm:s6], $0xF7A  }
0x23: {  	s9 =	sor.u32 $0xD0000000, s2;
	s6 =	simm.s32 $0x108;
	_ =	swait.ge @!p0 [sflag:s8], $0x0  }
0x24: {  	s3 =	sadd.s32 $0x88, s3;
	s6 =	simm.s32 @!p1 $0x1082;
	[sflag:s4] =	ssyncset.s32 $0xFFFFF086  }
0x25: {  	[simem:s6], [sflag:s4] =	dma.local [hbm:s3], $0xF7A  }
0x26: {  	[smem:$0x3F9E] =	sst s1;
	(tag) =	ssettag s2;
	_ =	strace s9  }
0x27: {  	s1 =	sld [smem:$0x3FAE]  }
0x28: {  	s2 =	sld [smem:$0x3FAF]  }
0x29: {  	s4 =	sld [smem:$0x3FB1]  }
0x2a: {  	p0 =	seq.s32 s5, $0x0;
	s5 =	sld [smem:$0x3FB2]  }
0x2b: {  	s6 =	sld [smem:$0x3FB3]  }
0x2c: {  	s7 =	sld [smem:$0x3FB4]  }
0x2d: {  	s3 =	simm.s32 $0x108;
	s8 =	sld [smem:$0x3FB5]  }
0x2e: {  	s3 =	simm.s32 @!p0 $0x1082;
	s9 =	sld [smem:$0x3FB6]  }
0x2f: {  	lr =	sadd.s32 s0, s3;
	s0 =	sld [smem:$0x3FAD]  }
0x30: {  	s3 =	sld [smem:$0x3FB0]  }
0x31: {  	[smem:$0x3FB9] =	sst s10  }
0x32: {  	s10 =	sld [smem:$0x3FB7];
	_ =	sdelay $0x3  }
0x33: {  	p0 =	seq.s32 s10, $0x1;
	s10 =	sld [smem:$0x3FB9];
	_ =	sdelay $0x3  }
0x34: {  	[smem:$0x3FB9] =	sst s10  }
0x35: {  	s10 =	sld [smem:$0x3FB8];
	_ =	sdelay $0x3  }
0x36: {  	p1 =	seq.s32 s10, $0x1;
	s10 =	sld [smem:$0x3FB9];
	_ =	sdelay $0x3  }
0x37: {  	[smem:$0x3FB9] =	sst s10  }
0x38: {  	s10 =	sld [smem:$0x3FBA]  }
0x39: {  	_ = 	snop;
	(pc) =	sbr.ind lr, $3  }
0x3a: {  	_ = 	snop  }
0x3b: {  	_ = 	snop  }
0x3c: {  	p2 =	seq.s32 s10, $0x1;
	s10 =	sld [smem:$0x3FB9]  }
0x3d: {  	_ =	shalt  }
0x3e: {  	_ =	shalt  }
0x3f: {  	_ =	shalt  }
0x40: {  	_ =	shalt  }
0x41: {  	_ =	shalt  }
0x42: {  	_ =	shalt  }
0x43: {  	_ =	shalt  }
0x44: {  	_ =	shalt  }
0x45: {  	_ =	shalt  }
0x46: {  	_ =	shalt  }
0x47: {  	_ =	shalt  }
0x48: {  	_ =	shalt  }
0x49: {  	_ =	shalt  }
0x4a: {  	_ =	shalt  }
0x4b: {  	_ =	shalt  }
0x4c: {  	_ =	shalt  }
0x4d: {  	_ =	shalt  }
0x4e: {  	_ =	shalt  }
0x4f: {  	_ =	shalt  }
0x50: {  	_ =	shalt  }
0x51: {  	_ =	shalt  }
0x52: {  	_ =	shalt  }
0x53: {  	_ =	shalt  }
0x54: {  	_ =	shalt  }
0x55: {  	_ =	shalt  }
0x56: {  	_ =	shalt  }
0x57: {  	_ =	shalt  }
0x58: {  	_ =	shalt  }
0x59: {  	_ =	shalt  }
0x5a: {  	_ =	shalt  }
0x5b: {  	_ =	shalt  }
0x5c: {  	_ =	shalt  }
0x5d: {  	_ =	shalt  }
0x5e: {  	_ =	shalt  }
0x5f: {  	_ =	shalt  }
0x60: {  	_ =	shalt  }
0x61: {  	_ =	shalt  }
0x62: {  	_ =	shalt  }
0x63: {  	_ =	shalt  }
0x64: {  	_ =	shalt  }
0x65: {  	_ =	shalt  }
0x66: {  	_ =	shalt  }
0x67: {  	_ =	shalt  }
0x68: {  	_ =	shalt  }
0x69: {  	_ =	shalt  }
0x6a: {  	_ =	shalt  }
0x6b: {  	_ =	shalt  }
0x6c: {  	_ =	shalt  }
0x6d: {  	_ =	shalt  }
0x6e: {  	_ =	shalt  }
0x6f: {  	_ =	shalt  }
0x70: {  	_ =	shalt  }
0x71: {  	_ =	shalt  }
0x72: {  	_ =	shalt  }
0x73: {  	_ =	shalt  }
0x74: {  	_ =	shalt  }
0x75: {  	_ =	shalt  }
0x76: {  	_ =	shalt  }
0x77: {  	_ =	shalt  }
0x78: {  	_ =	shalt  }
0x79: {  	_ =	shalt  }
0x7a: {  	_ =	shalt  }
0x7b: {  	_ =	shalt  }
0x7c: {  	_ =	shalt  }
0x7d: {  	_ =	shalt  }
0x7e: {  	_ =	shalt  }
0x7f: {  	_ =	shalt  }
0x80: {  	_ =	shalt  }
0x81: {  	_ =	shalt  }
0x82: {  	_ =	shalt  }
0x83: {  	_ =	shalt  }
0x84: {  	_ =	shalt  }
0x85: {  	_ =	shalt  }
0x86: {  	_ =	shalt  }
0x87: {  	_ =	shalt  }
.Lfunc_end0:
.L_simem_size_0:
called_computation_lowered:
.L_overlay_start_0:
0x88: {  	s2 =	sld [smem:$0x3FD9]  }
0x89: {  	s3 =	sld [smem:$0x3FFE];
	_ =	sdelay $0x1  }
0x8a: {  	s1 =	srdreg.scid  }
0x8b: {  	s0 =	sand.u32 $0x1, s1  }
0x8c: {  	s18 =	sshll.u32 s0, $0xA;
	s2 =	sadd.s32 s3, s2  }
0x8d: {  	s2 =	sadd.s32 s2, s18  }
0x8e: {  	[smem:$0x3FC5] =	sst s2  }
0x8f: {  	_ = 	snop  }
0x90: {  	s2 =	sld [smem:$0x3FC9]  }
0x91: {  	s19 =	sld [smem:$0x3FC8]  }
0x92: {  	s4 =	sld [smem:$0x3FC7]  }
0x93: {  	s5 =	sld [smem:$0x3FD0];
	(tm) =	ssettm $0x1  }
0x94: {  	s6 =	sld [smem:$0x3FFB];
	_ =	sdelay $0x3  }
0x95: {  	_ =	strace s6  }
0x96: {  	s6 =	sld [smem:$0x3FFC];
	_ =	sdelay $0x3  }
0x97: {  	_ =	strace s6  }
0x98: {  	s6 =	sld [smem:$0x3FFD];
	_ =	sdelay $0x3  }
0x99: {  	_ =	strace s6  }
0x9a: {  	_ =	strace $0x8FFFFFFF  }
0x9b: {  	s20 =	sld [smem:$0x3FDB];
	_ =	sdelay $0x1  }
0x9c: {  	s7 =	simm.s32 $_scs_section_size  }
0x9d: {  	s8 =	simm.s32 $_size__tile_overlayer_lowered;
	s9 =	simm.s32 $_tile_overlayer_lowered  }
0x9e: {  	s23 =	simm.s32 $0x1BFF;
	s22 =	sshll.u32 s9, $0x1;
	s6 =	sadd.s32 s7, s20  }
0x9f: {  	s10 =	simm.s32 $0x0;
	s21 =	sshll.u32 s8, $0x1;
	s8 =	sadd.s32 s22, s6  }
0xa0: {  	[timem:s10], [sflag:s23] =	dma.local [hbm:s8], s21  }
0xa1: {  	_ =	swait.ge [sflag:s23], s21  }
0xa2: {  	s7 =	ssub.s32 $0x0, s21;
	[sflag:s23] =	ssyncset.done $0x0  }
0xa3: {  	[sflag:s23] =	ssyncadd.s32 s7;
	_ =	sdelay $0x1  }
0xa4: {  	s24 =	simm.s32 $0x1B8B  }
0xa5: {  	_ =	swait.ge [sflag:s24], $0x1  }
0xa6: {  	[sflag:s24] =	ssyncset.done $0x0  }
0xa7: {  	s25 =	simm.s32 $0x1B8E;
	[sflag:s24] =	ssyncadd.s32 $0xFFFFFFFF  }
0xa8: {  	s26 =	simm.s32 $execute0_lowered;
	[smem:$0x3FD2] =	sst s25  }
0xa9: {  	s7 =	sshll.u32 s26, $0x1;
	_ =	strace $0x80000046;
	[dreg:$0x1] =	wrdreg $0xFFFFFFFF  }
0xaa: {  	s28 =	simm.s32 $_size_execute0_lowered;
	s6 =	sadd.s32 s6, s7;
	[dreg:$0x0] =	wrdreg $0x0  }
0xab: {  	s7 =	sshll.u32 s28, $0x1;
	[dreg:$0x2] =	wrdreg s6  }
0xac: {  	[dreg:$0x3] =	wrdreg s7  }
0xad: {  	[dreg:$0x4] =	wrdreg $0xC0  }
0xae: {  	_ =	task [dreg:s10], $0x5FFFF  }
0xaf: {  	[dreg:$0x1] =	wrdreg $0xFFFFFFFF  }
0xb0: {  	[dreg:$0x0] =	wrdreg $0x60  }
0xb1: {  	[dreg:$0x2] =	wrdreg s2  }
0xb2: {  	[dreg:$0x3] =	wrdreg s19  }
0xb3: {  	[dreg:$0x4] =	wrdreg s4  }
0xb4: {  	[dreg:$0x5] =	wrdreg s5  }
0xb5: {  	[dreg:$0x6] =	wrdreg $0x9  }
0xb6: {  	_ =	task.clear_ibuf [dreg:s10], $0x7FFFF;
	_ =	strace $0x90000046  }
0xb7: {  	s29 =	simm.s32 $0x9;
	_ =	strace $0x80000048  }
0xb8: {  	_ =	swait.ge [sflag:s29], $0x1  }
0xb9: {  	[sflag:s29] =	ssyncadd.s32 $0xFFFFFFFF  }
0xba: {  	_ =	strace $0x90000048  }
0xbb: {  	_ =	sfence  }
0xbc: {  	s30 =	sld [smem:$0x0];
	_ =	sdelay $0x2  }
0xbd: {  	s31 =	sshll.u32 s1, $0xD;
	s1 =	sshrl.u32 s1, $0x2  }
0xbe: {  	s3 =	sand.u32 $0x4000, s31;
	s1 =	sadd.s32 s1, s30  }
0xbf: {  	s0 =	sor.u32 s3, s0;
	s1 =	sshll.u32 s1, $0x11  }
0xc0: {  	s0 =	sor.u32 s1, s0  }
0xc1: {  	s0 =	sadd.s32 $0x8F2B, s0  }
0xc2: {  	[sflag:s0] =	ssyncadd.remote.s32 $0x1  }
0xc3: {  	_ =	sfence.sel $0xFFFF  }
0xc4: {  	[dreg:$0x0] =	wrdreg $0xFFFFFFFF;
	(pc) =	sbr.abs _section_cstart, $3  }
0xc5: {  	[dreg:$0x1] =	wrdreg $0xFFFFFFFF  }
0xc6: {  	_ =	task.clear_ibuf [dreg:s10], $0x2FFFF;
	_ =	strace $0x9FFFFFFF  }
0xc7: {  	(tm) =	ssettm $0x7FFFFFFF  }
tec
execute0_lowered:
.L_overlay_start_1:
0x0: {  	(tag) =	ssettag $0x1  }
0x1: {  	s1 =	rddreg [dreg:$0x0]  }
0x2: {  	s6 =	rddreg [dreg:$0x1]  }
0x3: {  	s7 =	rddreg [dreg:$0x2]  }
0x4: {  	s9 =	rddreg [dreg:$0x3]  }
0x5: {  	s0 =	rddreg [dreg:$0x4];
	s4 =	srdreg.scid  }
0x6: {  	s3 =	simm.s32 $0x0;
	s2 =	stileid.u32;
	s12 =	simm.s32 $0x140  }
0x7: {  	s13 =	simm.s32 $0x340;
	s14 =	simm.s32 $0x1;
	s15 =	simm.s32 $0x400  }
0x8: {  	s16 =	simm.s32 $0x2;
	s17 =	simm.s32 $0xC0;
	s18 =	simm.s32 $0x540  }
0x9: {  	s19 =	simm.s32 $0x3;
	s20 =	simm.s32 $0x4;
	s4 =	sand.u32 $0x1, s4  }
0xa: {  	s21 =	simm.s32 $0x0;
	s8 =	sshll.u32 s2, $0x7;
	s5 =	ssub.s32 $0x2, s4  }
0xb: {  	[smem:$0x7FF] =	sst s3;
	s4 =	sshll.u32 s4, $0x6;
	s10 =	sshrl.u32 s5, $0x1  }
0xc: {  	_ =	strace $0x80000047;
	s8 =	sor.u32 s4, s8;
	s10 =	ssub.s32 s5, s10  }
0xd: {  	s11 =	sor.u32 $0x28, s8;
	s4 =	sadd.s32 s6, s8;
	s5 =	sadd.s32 s7, s8  }
0xe: {  	s8 =	sadd.s32 s9, s8;
	s6 =	sadd.s32 s6, s11;
	s7 =	sadd.s32 s7, s11  }
0xf: {  	s9 =	sadd.s32 s9, s11;
	s10 =	smax.u32 s10, $0x1;
	s11 =	simm.s32 $0x200  }
.LBB2_1:
0x10: {  	[tilespmem:s3], [sflag:$0x1] =	stream.linear.gather [hbm4b:s4+s3], $0x140, $0x38;
	[tilespmem:$0x600] =	vst v63  }
0x11: {  	_ = 	snop  }
0x12: {  	[tilespmem:s11], [sflag:$0x1] =	stream.linear.gather [hbm4b:s5+s3], $0x140, $0x38;
	[tilespmem:$0x600] =	vst v63  }
0x13: {  	_ = 	snop  }
0x14: {  	[tilespmem:s12], [sflag:$0x2] =	stream.linear.gather [hbm4b:s6+s3], $0xC0, $0x38;
	[tilespmem:$0x600] =	vst v63  }
0x15: {  	_ = 	snop  }
0x16: {  	[tilespmem:s13], [sflag:$0x2] =	stream.linear.gather [hbm4b:s7+s3], $0xC0, $0x38;
	[tilespmem:$0x600] =	vst v63  }
0x17: {  	_ =	swait.ge [sflag:s14], $0x140  }
0x18: {  	[sflag:s14] =	ssyncset.done $0x0  }
0x19: {  	[sflag:s14] =	ssyncadd.s32 $0xFFFFFEC0  }
0x1a: {  	_ =	swait.ge [sflag:s14], $0x140  }
0x1b: {  	[sflag:s14] =	ssyncset.done $0x0  }
0x1c: {  	s23 =	simm.s32 $0x20;
	[sflag:s14] =	ssyncadd.s32 $0xFFFFFEC0  }
0x1d: {  	s22 =	simm.s32 $0x220;
	v5 =	vld [tilespmem:s23+$0x10]  }
0x1e: {  	v6 =	vld [tilespmem:s22+$0x10]  }
0x1f: {  	v2 =	vld [tilespmem:s22+$0xFFFFFFE0]  }
0x20: {  	v3 =	vld [tilespmem:s23+$0xFFFFFFF0]  }
0x21: {  	v0 =	vld [tilespmem:s22+$0xFFFFFFF0]  }
0x22: {  	v4 =	vld [tilespmem:s23+$0x0]  }
0x23: {  	v1 =	vld [tilespmem:s22+$0x0]  }
0x24: {  	v9 =	vld [tilespmem:s23+$0xFFFFFFE0];
	v7 =	vshll.u32 v5, $0xA;
	v8 =	vshll.u32 v6, $0x3  }
0x25: {  	v5 =	vshll.u32 v5, $0x7;
	v10 =	vshll.u32 v2, $0x3;
	v11 =	vshll.u32 v3, $0xA  }
0x26: {  	v6 =	vand.u32 $0x7F, v6;
	v7 =	vand.u32 $0xFFFFE000, v7;
	v8 =	vand.u32 $0xFFFFFC00, v8  }
0x27: {  	v12 =	vshll.u32 v4, $0xA;
	v5 =	vand.u32 $0x380, v5;
	v7 =	vadd.s32 v7, v8  }
0x28: {  	v14 =	vshll.u32 v1, $0x3;
	v8 =	vand.u32 $0xFFFFFC00, v10;
	v5 =	vor.u32 v5, v7  }
0x29: {  	v10 =	vshll.u32 v9, $0xA;
	v7 =	vshll.u32 v0, $0x3;
	v13 =	vor.u32 v6, v5  }
0x2a: {  	v5 =	vand.u32 $0xFFFFE000, v11;
	v6 =	vand.u32 $0xFFFFFC00, v7;
	v7 =	vand.u32 $0xFFFFE000, v12  }
0x2b: {  	s24 =	simm.s32 $0x0;
	s25 =	simm.s32 $0x60;
	s23 =	simm.s32 $0x220;
	v11 =	vand.u32 $0xFFFFE000, v10;
	v10 =	vshll.u32 v9, $0x7;
	v9 =	vand.u32 $0xFFFFFC00, v14;
	[tilespmem:s22+$0x10] =	vst v13  }
.LBB2_2:
0x2c: {  	v12 =	vld [tilespmem:s25+$0x10];
	v8 =	vadd.s32 v11, v8;
	v3 =	vshll.u32 v3, $0x7;
	v4 =	vshll.u32 v4, $0x7;
	s22 =	sadd.s32 $0x40, s22  }
0x2d: {  	s24 =	sadd.s32 $0x40, s24;
	v10 =	vand.u32 $0x380, v10;
	v5 =	vadd.s32 v5, v6;
	v6 =	vadd.s32 v7, v9;
	v11 =	vld [tilespmem:s22+$0x10]  }
0x2e: {  	p0 =	slt.u32 s24, $0x100;
	v8 =	vor.u32 v10, v8;
	v9 =	vand.u32 $0x380, v3;
	v4 =	vand.u32 $0x380, v4;
	v7 =	vld [tilespmem:s22+$0xFFFFFFE0]  }
0x2f: {  	v2 =	vand.u32 $0x7F, v2;
	v5 =	vor.u32 v9, v5;
	v6 =	vor.u32 v4, v6;
	v3 =	vld [tilespmem:s25+$0xFFFFFFF0]  }
0x30: {  	v1 =	vand.u32 $0x7F, v1;
	v2 =	vor.u32 v2, v8;
	v8 =	vand.u32 $0x7F, v0;
	v0 =	vld [tilespmem:s22+$0xFFFFFFF0]  }
0x31: {  	v13 =	vor.u32 v8, v5;
	v5 =	vor.u32 v1, v6;
	v4 =	vld [tilespmem:s25+$0x0];
	[tilespmem:s23+$0xFFFFFFE0] =	vst v2  }
0x32: {  	v6 =	vshll.u32 v12, $0xA;
	v1 =	vld [tilespmem:s22+$0x0];
	v8 =	vshll.u32 v11, $0x3;
	[tilespmem:s23+$0xFFFFFFF0] =	vst v13  }
0x33: {  	v10 =	vshll.u32 v12, $0x7;
	v6 =	vand.u32 $0xFFFFE000, v6;
	v9 =	vld [tilespmem:s25+$0xFFFFFFE0];
	v8 =	vand.u32 $0xFFFFFC00, v8;
	[tilespmem:s23+$0x0] =	vst v5;
	v2 =	vmovc v7;
	s23 =	smov.u32 s22  }
0x34: {  	v7 =	vand.u32 $0x380, v10;
	v5 =	vshll.u32 v2, $0x3;
	v6 =	vadd.s32 v6, v8  }
.Ltmp0:
0x35: {  	v10 =	vshll.u32 v3, $0xA;
	v6 =	vor.u32 v7, v6;
	v7 =	vand.u32 $0x7F, v11;
	(pc) =	sbr.rel @p0 .LBB2_2-.Ltmp0, $4  }
0x36: {  	v11 =	vshll.u32 v0, $0x3;
	v12 =	vshll.u32 v4, $0xA;
	v6 =	vor.u32 v7, v6  }
0x37: {  	v8 =	vand.u32 $0xFFFFFC00, v5;
	v5 =	vand.u32 $0xFFFFE000, v10;
	v13 =	vshll.u32 v1, $0x3;
	[tilespmem:s22+$0x10] =	vst v6  }
0x38: {  	v6 =	vand.u32 $0xFFFFFC00, v11;
	v7 =	vand.u32 $0xFFFFE000, v12;
	v10 =	vshll.u32 v9, $0xA  }
0x39: {  	s25 =	sadd.s32 $0x40, s25;
	v11 =	vand.u32 $0xFFFFE000, v10;
	v10 =	vshll.u32 v9, $0x7;
	v9 =	vand.u32 $0xFFFFFC00, v13  }
0x3a: {  	v8 =	vadd.s32 v11, v8  }
0x3b: {  	v3 =	vshll.u32 v3, $0x7;
	v4 =	vshll.u32 v4, $0x7;
	v10 =	vand.u32 $0x380, v10  }
0x3c: {  	v5 =	vadd.s32 v5, v6;
	v6 =	vadd.s32 v7, v9;
	v2 =	vand.u32 $0x7F, v2  }
0x3d: {  	v0 =	vand.u32 $0x7F, v0;
	v7 =	vor.u32 v10, v8;
	v3 =	vand.u32 $0x380, v3  }
0x3e: {  	v4 =	vand.u32 $0x380, v4;
	v3 =	vor.u32 v3, v5;
	v2 =	vor.u32 v2, v7  }
0x3f: {  	v1 =	vand.u32 $0x7F, v1;
	v4 =	vor.u32 v4, v6;
	[tilespmem:s23+$0xFFFFFFE0] =	vst v2;
	v0 =	vor.u32 v0, v3  }
0x40: {  	v1 =	vor.u32 v1, v4;
	[tilespmem:s23+$0xFFFFFFF0] =	vst v0  }
0x41: {  	[tilespmem:s23+$0x0] =	vst v1  }
0x42: {  	[tilespmem:s15], [sflag:$0x3] =	stream.indirect.gather [hbm4b:s1+s12], $0x1, s11, s12, $0xb8;
	[tilespmem:$0x600] =	vst v63  }
0x43: {  	_ =	swait.ge [sflag:s16], $0xC0  }
0x44: {  	[sflag:s16] =	ssyncset.done $0x0  }
0x45: {  	[sflag:s16] =	ssyncadd.s32 $0xFFFFFF40  }
0x46: {  	_ =	swait.ge [sflag:s16], $0xC0  }
0x47: {  	[sflag:s16] =	ssyncset.done $0x0  }
0x48: {  	s31 =	simm.s32 $0x170;
	[sflag:s16] =	ssyncadd.s32 $0xFFFFFF40  }
0x49: {  	s22 =	simm.s32 $0x370;
	v5 =	vld [tilespmem:s31+$0x0]  }
0x4a: {  	v6 =	vld [tilespmem:s22+$0x0]  }
0x4b: {  	v2 =	vld [tilespmem:s22+$0xFFFFFFD0]  }
0x4c: {  	v3 =	vld [tilespmem:s31+$0xFFFFFFE0]  }
0x4d: {  	v0 =	vld [tilespmem:s22+$0xFFFFFFE0]  }
0x4e: {  	v4 =	vld [tilespmem:s31+$0xFFFFFFF0]  }
0x4f: {  	v1 =	vld [tilespmem:s22+$0xFFFFFFF0]  }
0x50: {  	v9 =	vld [tilespmem:s31+$0xFFFFFFD0];
	v7 =	vshll.u32 v5, $0xA;
	v8 =	vshll.u32 v6, $0x3  }
0x51: {  	v5 =	vshll.u32 v5, $0x7;
	v10 =	vshll.u32 v2, $0x3;
	v11 =	vshll.u32 v3, $0xA  }
0x52: {  	v6 =	vand.u32 $0x7F, v6;
	v7 =	vand.u32 $0xFFFFE000, v7;
	v8 =	vand.u32 $0xFFFFFC00, v8  }
0x53: {  	v12 =	vshll.u32 v4, $0xA;
	v5 =	vand.u32 $0x380, v5;
	v7 =	vadd.s32 v7, v8  }
0x54: {  	v14 =	vshll.u32 v1, $0x3;
	v8 =	vand.u32 $0xFFFFFC00, v10;
	v5 =	vor.u32 v5, v7  }
0x55: {  	v10 =	vshll.u32 v9, $0xA;
	v7 =	vshll.u32 v0, $0x3;
	v13 =	vor.u32 v6, v5  }
0x56: {  	v5 =	vand.u32 $0xFFFFE000, v11;
	v6 =	vand.u32 $0xFFFFFC00, v7;
	v7 =	vand.u32 $0xFFFFE000, v12  }
0x57: {  	s24 =	simm.s32 $0x140;
	s25 =	simm.s32 $0x1B0;
	s23 =	simm.s32 $0x370;
	v11 =	vand.u32 $0xFFFFE000, v10;
	v10 =	vshll.u32 v9, $0x7;
	v9 =	vand.u32 $0xFFFFFC00, v14;
	[tilespmem:s22+$0x0] =	vst v13  }
.LBB2_4:
0x58: {  	v12 =	vld [tilespmem:s25+$0x0];
	v8 =	vadd.s32 v11, v8;
	v3 =	vshll.u32 v3, $0x7;
	v4 =	vshll.u32 v4, $0x7;
	s22 =	sadd.s32 $0x40, s22  }
0x59: {  	s24 =	sadd.s32 $0x40, s24;
	v10 =	vand.u32 $0x380, v10;
	v5 =	vadd.s32 v5, v6;
	v6 =	vadd.s32 v7, v9;
	v11 =	vld [tilespmem:s22+$0x0]  }
0x5a: {  	p0 =	slt.u32 s24, $0x1C0;
	v8 =	vor.u32 v10, v8;
	v9 =	vand.u32 $0x380, v3;
	v4 =	vand.u32 $0x380, v4;
	v7 =	vld [tilespmem:s22+$0xFFFFFFD0]  }
0x5b: {  	v2 =	vand.u32 $0x7F, v2;
	v5 =	vor.u32 v9, v5;
	v6 =	vor.u32 v4, v6;
	v3 =	vld [tilespmem:s25+$0xFFFFFFE0]  }
0x5c: {  	v1 =	vand.u32 $0x7F, v1;
	v2 =	vor.u32 v2, v8;
	v8 =	vand.u32 $0x7F, v0;
	v0 =	vld [tilespmem:s22+$0xFFFFFFE0]  }
0x5d: {  	v13 =	vor.u32 v8, v5;
	v5 =	vor.u32 v1, v6;
	v4 =	vld [tilespmem:s25+$0xFFFFFFF0];
	[tilespmem:s23+$0xFFFFFFD0] =	vst v2  }
0x5e: {  	v6 =	vshll.u32 v12, $0xA;
	v1 =	vld [tilespmem:s22+$0xFFFFFFF0];
	v8 =	vshll.u32 v11, $0x3;
	[tilespmem:s23+$0xFFFFFFE0] =	vst v13  }
0x5f: {  	v10 =	vshll.u32 v12, $0x7;
	v6 =	vand.u32 $0xFFFFE000, v6;
	v9 =	vld [tilespmem:s25+$0xFFFFFFD0];
	v8 =	vand.u32 $0xFFFFFC00, v8;
	[tilespmem:s23+$0xFFFFFFF0] =	vst v5;
	v2 =	vmovc v7;
	s23 =	smov.u32 s22  }
0x60: {  	v7 =	vand.u32 $0x380, v10;
	v5 =	vshll.u32 v2, $0x3;
	v6 =	vadd.s32 v6, v8  }
.Ltmp1:
0x61: {  	v10 =	vshll.u32 v3, $0xA;
	v6 =	vor.u32 v7, v6;
	v7 =	vand.u32 $0x7F, v11;
	(pc) =	sbr.rel @p0 .LBB2_4-.Ltmp1, $4  }
0x62: {  	v11 =	vshll.u32 v0, $0x3;
	v12 =	vshll.u32 v4, $0xA;
	v6 =	vor.u32 v7, v6  }
0x63: {  	v8 =	vand.u32 $0xFFFFFC00, v5;
	v5 =	vand.u32 $0xFFFFE000, v10;
	v13 =	vshll.u32 v1, $0x3;
	[tilespmem:s22+$0x0] =	vst v6  }
0x64: {  	v6 =	vand.u32 $0xFFFFFC00, v11;
	v7 =	vand.u32 $0xFFFFE000, v12;
	v10 =	vshll.u32 v9, $0xA  }
0x65: {  	s25 =	sadd.s32 $0x40, s25;
	v11 =	vand.u32 $0xFFFFE000, v10;
	v10 =	vshll.u32 v9, $0x7;
	v9 =	vand.u32 $0xFFFFFC00, v13  }
0x66: {  	v8 =	vadd.s32 v11, v8  }
0x67: {  	v3 =	vshll.u32 v3, $0x7;
	v4 =	vshll.u32 v4, $0x7;
	v10 =	vand.u32 $0x380, v10  }
0x68: {  	v5 =	vadd.s32 v5, v6;
	v62 =	vadd.s32 v7, v9;
	v2 =	vand.u32 $0x7F, v2  }
0x69: {  	v0 =	vand.u32 $0x7F, v0;
	v63 =	vor.u32 v10, v8;
	v3 =	vand.u32 $0x380, v3  }
0x6a: {  	v4 =	vand.u32 $0x380, v4;
	v3 =	vor.u32 v3, v5;
	v2 =	vor.u32 v2, v63  }
0x6b: {  	v1 =	vand.u32 $0x7F, v1;
	v4 =	vor.u32 v4, v62;
	[tilespmem:s23+$0xFFFFFFD0] =	vst v2;
	v0 =	vor.u32 v0, v3  }
0x6c: {  	v1 =	vor.u32 v1, v4;
	[tilespmem:s23+$0xFFFFFFE0] =	vst v0  }
0x6d: {  	[tilespmem:s23+$0xFFFFFFF0] =	vst v1  }
0x6e: {  	[tilespmem:s18], [sflag:$0x4] =	stream.indirect.gather [hbm4b:s1+s17], $0x1, s13, s17, $0xb8;
	[tilespmem:$0x600] =	vst v63  }
0x6f: {  	_ =	swait.ge [sflag:s19], $0x140  }
0x70: {  	[sflag:s19] =	ssyncset.done $0x0  }
0x71: {  	[sflag:s19] =	ssyncadd.s32 $0xFFFFFEC0  }
0x72: {  	[hbm4b:s8+s3] =	stream.linear.scatter [tilespmem:s15], [sflag:$0x1], $0x140, $0x38;
	[tilespmem:$0x600] =	vst v63  }
0x73: {  	_ =	swait.ge [sflag:s20], $0xC0  }
0x74: {  	[sflag:s20] =	ssyncset.done $0x0  }
0x75: {  	s21 =	sadd.s32 $0x1, s21;
	[sflag:s20] =	ssyncadd.s32 $0xFFFFFF40  }
0x76: {  	[hbm4b:s9+s3] =	stream.linear.scatter [tilespmem:s18], [sflag:$0x2], $0xC0, $0x38;
	[tilespmem:$0x600] =	vst v63  }
0x77: {  	p0 =	sne.s32 s21, s10;
	_ =	swait.ge [sflag:s14], $0x140  }
.Ltmp2:
0x78: {  	[sflag:s14] =	ssyncset.done $0x0;
	(pc) =	sbr.rel @p0 .LBB2_1-.Ltmp2, $4  }
0x79: {  	[sflag:s14] =	ssyncadd.s32 $0xFFFFFEC0  }
0x7a: {  	_ =	swait.ge [sflag:s16], $0xC0  }
0x7b: {  	[sflag:s16] =	ssyncset.done $0x0  }
0x7c: {  	[sflag:s16] =	ssyncadd.s32 $0xFFFFFF40  }
0x7d: {  	_ =	sfence.sel $0x180000  }
0x7e: {  	[bflag:$0x0] =	sbarrier.arrive $0xFFFF  }
0x7f: {  	p0 =	sne.s32 s2, $0x0;
	_ =	strace $0x90000047  }
0x80: {  	s0 =	sadd.s32 @!p0 $0x100000, s0;
	[bflag:$0x2] =	sbarrier.arrive $0xFFFF  }
0x81: {  	[sflag:s0] =	ssyncadd.tile.s32 @!p0 $0x1;
	_ =	shalt  }
.Lfunc_end2:
_tile_overlayer_lowered:
.L_overlay_start_2:
0x82: {  	(tag) =	ssettag $0x2  }
0x83: {  	s0 =	rddreg [dreg:$0x0];
	s2 =	stileid.u32  }
0x84: {  	s1 =	rddreg [dreg:$0x1];
	p0 =	sne.s32 s2, $0x0  }
0x85: {  	s3 =	rddreg [dreg:$0x2];
	[bflag:$0x3] =	sbarrier.arrive $0xFFFF;
	s2 =	simm.s32 @!p0 $0x1C05  }
0x86: {  	[timem:s3], [sflag:s2] =	dma.local @!p0 [hbm:s0], s1  }
0x87: {  	s0 =	simm.s32 @!p0 $0x5  }
0x88: {  	_ =	swait.ge @!p0 [sflag:s0], s1  }
0x89: {  	s1 =	ssub.s32 @!p0 $0x0, s1;
	[sflag:s0] =	ssyncset.done @!p0 $0x0  }
0x8a: {  	[sflag:s0] =	ssyncadd.s32 @!p0 s1  }
0x8b: {  	[bflag:$0x3] =	sbarrier.arrive $0xFFFF  }
0x8c: {  	_ =	shalt  }

</sc_bundles>
